<compile_context>
chip_gen: v7x
topology: tpu7x:2x2x1
jax: 0.10.2.dev20260603
libtpu: 0.0.44.dev20260713+nightly
codegen_flags: <defaults>
</compile_context>

<pallas_src>
import functools

import jax
import jax.numpy as jnp
from jax import lax
from jax.experimental import pallas as pl
from jax.experimental.pallas import tpu as pltpu
from jax.experimental.pallas import tpu_sc as plsc

B = 4096
D = 128
C = 1000
M_ROWS = 100000

BI = 512
NBLK = B // BI

NC = 2
NS = 16
NW = NC * NS
CH = B // NW


NSTEP = 10
CP_ROWS = M_ROWS // NSTEP


def _mm(i):
  return jnp.minimum(i, NBLK - 1)


def _tc_body(idx_blk_ref, idx_all_ref, x_ref, w_ref, b_ref, mem_ref,
             out_ref, win_ref, newmem_ref):
  newmem_ref[...] = mem_ref[...]

  @pl.when(pl.program_id(0) < NBLK)
  def _compute():
    out_ref[...] = (
        jnp.dot(x_ref[...], w_ref[...], preferred_element_type=jnp.float32)
        + b_ref[...]
    )
    ii = idx_blk_ref[0, 0, :].reshape(BI, 1)
    alljj = idx_all_ref[...]
    eq = ii == alljj
    jio = lax.broadcasted_iota(jnp.int32, (BI, B), 1)
    win = jnp.max(jnp.where(eq, jio, -1), axis=1)
    win_ref[0, 0, :] = win


_tc_call = pl.pallas_call(
    _tc_body,
    grid=(NSTEP,),
    in_specs=[
        pl.BlockSpec((1, 1, BI), lambda i: (_mm(i), 0, 0)),
        pl.BlockSpec((1, B), lambda i: (0, 0)),
        pl.BlockSpec((BI, D), lambda i: (_mm(i), 0)),
        pl.BlockSpec((D, C), lambda i: (0, 0)),
        pl.BlockSpec((1, C), lambda i: (0, 0)),
        pl.BlockSpec((1, CP_ROWS, D), lambda i: (i, 0, 0)),
    ],
    out_specs=[
        pl.BlockSpec((BI, C), lambda i: (_mm(i), 0)),
        pl.BlockSpec((1, 1, BI), lambda i: (_mm(i), 0, 0)),
        pl.BlockSpec((1, CP_ROWS, D), lambda i: (i, 0, 0)),
    ],
    out_shape=[
        jax.ShapeDtypeStruct((B, C), jnp.float32),
        jax.ShapeDtypeStruct((NBLK, 1, BI), jnp.int32),
        jax.ShapeDtypeStruct((NSTEP, CP_ROWS, D), jnp.float32),
    ],
)


CHH = CH // 2


def _sc_scatter_body(x_hbm, idx_hbm, win_hbm, mem_hbm,
                     idx0, idx1, win0, win1, rows0, rows1,
                     si0, si1, sw0, sw1, sg0, sg1, ss0, ss1):
  wid = lax.axis_index("s") * NC + lax.axis_index("c")
  base = wid * CH
  li0 = pltpu.async_copy(idx_hbm.at[pl.ds(base, CHH)], idx0, si0)
  li1 = pltpu.async_copy(idx_hbm.at[pl.ds(base + CHH, CHH)], idx1, si1)
  lw0 = pltpu.async_copy(win_hbm.at[pl.ds(base, CHH)], win0, sw0)
  lw1 = pltpu.async_copy(win_hbm.at[pl.ds(base + CHH, CHH)], win1, sw1)
  lw0.wait()
  g0 = pltpu.async_copy(x_hbm.at[win0], rows0, sg0)
  lw1.wait()
  g1 = pltpu.async_copy(x_hbm.at[win1], rows1, sg1)
  g0.wait()
  li0.wait()
  s0 = pltpu.async_copy(rows0, mem_hbm.at[idx0], ss0)
  g1.wait()
  li1.wait()
  s1 = pltpu.async_copy(rows1, mem_hbm.at[idx1], ss1)
  s0.wait()
  s1.wait()


@functools.cache
def _sc_scatter():
  return functools.partial(
      pl.kernel,
      mesh=plsc.VectorSubcoreMesh(core_axis_name="c", subcore_axis_name="s"),
      scratch_types=[
          pltpu.VMEM((CHH,), jnp.int32),
          pltpu.VMEM((CHH,), jnp.int32),
          pltpu.VMEM((CHH,), jnp.int32),
          pltpu.VMEM((CHH,), jnp.int32),
          pltpu.VMEM((CHH, D), jnp.float32),
          pltpu.VMEM((CHH, D), jnp.float32),
          pltpu.SemaphoreType.DMA,
          pltpu.SemaphoreType.DMA,
          pltpu.SemaphoreType.DMA,
          pltpu.SemaphoreType.DMA,
          pltpu.SemaphoreType.DMA,
          pltpu.SemaphoreType.DMA,
          pltpu.SemaphoreType.DMA,
          pltpu.SemaphoreType.DMA,
      ],
  )(_sc_scatter_body)


def kernel(x, mem, idx, W, b):
  idx32 = idx.astype(jnp.int32)
  out, win3, new_mem3 = _tc_call(
      idx32.reshape(NBLK, 1, BI),
      idx32.reshape(1, B),
      x,
      W,
      b.reshape(1, C),
      mem.reshape(NSTEP, CP_ROWS, D),
  )
  mem_ref = jax.new_ref(new_mem3.reshape(M_ROWS, D))
  _sc_scatter()(x, idx32, win3.reshape(B), mem_ref)
  return out, mem_ref[...]

# --- scband reference (transcript-rebuilt; emitter-appended) ---
"""Pipeline reference for scband-net-78357383348452 (READ-ONLY COPY).

The authoritative reference and input builder live on the scoring server;
editing this copy changes nothing except your own understanding.
"""

import jax, jax.numpy as jnp
import numpy as np

M = 100000
D = 128
B = 4096
C = 1000

def setup_inputs(seed: int = 0) -> dict:
    key = jax.random.key(seed)
    k1, k2, k3, k4, k5 = jax.random.split(key, 5)
    x = jax.random.normal(k1, (B, D), dtype=jnp.float32)
    mem = jax.random.normal(k2, (M, D), dtype=jnp.float32)
    idx = jax.random.randint(k3, (B,), 0, M, dtype=jnp.int64)
    # learned params for args.net (modeled as a linear classifier n_inputs -> n_outputs)
    W = jax.random.normal(k4, (D, C), dtype=jnp.float32) * (1.0 / np.sqrt(D))
    b = jnp.zeros((C,), dtype=jnp.float32)
    return {"x": x, "mem": mem, "idx": idx, "W": W, "b": b}

def reference(x, mem, idx, W, b):
    # forward: output = self.net(x)  (args.net modeled as linear layer)
    out = jnp.dot(x, W) + b
    # memory-buffer write from observe(): reservoir slots overwritten with incoming x
    # x_buffer[j] = x[i]  -> scatter-overwrite into the memory table
    new_mem = mem.at[idx].set(x)
    return out, new_mem

if __name__ == "__main__":
    import jax
    _d = setup_inputs()
    print(jax.jit(kernel)(*tuple(_d.values())))

</pallas_src>

<mosaic_0001>
#map = affine_map<(d0, d1) -> (0, 0)>
#map1 = affine_map<(d0, d1) -> (0)>
module attributes {stable_mosaic.version = 14 : i64} {
  func.func @new_body(%arg0: i32, %arg1: i32, %arg2: memref<4096x128xf32, #tpu.memory_space<hbm>>, %arg3: memref<4096xi32, #tpu.memory_space<hbm>>, %arg4: memref<4096xi32, #tpu.memory_space<hbm>>, %arg5: memref<100000x128xf32, #tpu.memory_space<hbm>>, %arg6: memref<100000x128xf32, #tpu.memory_space<hbm>>, %arg7: memref<64xi32, #tpu.memory_space<vmem>>, %arg8: memref<64xi32, #tpu.memory_space<vmem>>, %arg9: memref<64xi32, #tpu.memory_space<vmem>>, %arg10: memref<64xi32, #tpu.memory_space<vmem>>, %arg11: memref<64x128xf32, #tpu.memory_space<vmem>>, %arg12: memref<64x128xf32, #tpu.memory_space<vmem>>, %arg13: memref<!tpu.dma_semaphore, #tpu.memory_space<semaphore_mem>>, %arg14: memref<!tpu.dma_semaphore, #tpu.memory_space<semaphore_mem>>, %arg15: memref<!tpu.dma_semaphore, #tpu.memory_space<semaphore_mem>>, %arg16: memref<!tpu.dma_semaphore, #tpu.memory_space<semaphore_mem>>, %arg17: memref<!tpu.dma_semaphore, #tpu.memory_space<semaphore_mem>>, %arg18: memref<!tpu.dma_semaphore, #tpu.memory_space<semaphore_mem>>, %arg19: memref<!tpu.dma_semaphore, #tpu.memory_space<semaphore_mem>>, %arg20: memref<!tpu.dma_semaphore, #tpu.memory_space<semaphore_mem>>) attributes {dimension_semantics = [#tpu.dimension_semantics<core_parallel>, #tpu.dimension_semantics<subcore_parallel>], iteration_bounds = array<i64: 2, 16>, scalar_prefetch = 0 : i64, scratch_operands = 14 : i64, tpu.core_type = #tpu.core_type<sc_vector_subcore>, window_params = [{transform_indices = #map}, {transform_indices = #map1}, {transform_indices = #map1}, {transform_indices = #map}, {transform_indices = #map}]} {
    %mul3A = arith.constant 2 : i32
    %mul3A_0 = arith.muli %arg1, %mul3A : i32
    %add3A = arith.addi %mul3A_0, %arg0 : i32
    %mul3A_1 = arith.constant 128 : i32
    %mul3A_2 = arith.muli %add3A, %mul3A_1 : i32
    %dma_start3A = tpu.memref_slice %arg3[%mul3A_2] : memref<4096xi32, #tpu.memory_space<hbm>> -> memref<64xi32, #tpu.memory_space<hbm>>
    %dma_start3A_3 = tpu.memref_slice %arg3[%mul3A_2] : memref<4096xi32, #tpu.memory_space<hbm>> -> memref<64xi32, #tpu.memory_space<hbm>>
    tpu.enqueue_dma source(%dma_start3A_3 : memref<64xi32, #tpu.memory_space<hbm>>) target(%arg7 : memref<64xi32, #tpu.memory_space<vmem>>) target_semaphore(%arg13 : memref<!tpu.dma_semaphore, #tpu.memory_space<semaphore_mem>>)
    %add3A_4 = arith.constant 64 : i32
    %add3A_5 = arith.addi %mul3A_2, %add3A_4 : i32
    %dma_start3A_6 = tpu.memref_slice %arg3[%add3A_5] : memref<4096xi32, #tpu.memory_space<hbm>> -> memref<64xi32, #tpu.memory_space<hbm>>
    %dma_start3A_7 = tpu.memref_slice %arg3[%add3A_5] : memref<4096xi32, #tpu.memory_space<hbm>> -> memref<64xi32, #tpu.memory_space<hbm>>
    tpu.enqueue_dma source(%dma_start3A_7 : memref<64xi32, #tpu.memory_space<hbm>>) target(%arg8 : memref<64xi32, #tpu.memory_space<vmem>>) target_semaphore(%arg14 : memref<!tpu.dma_semaphore, #tpu.memory_space<semaphore_mem>>)
    %dma_start3A_8 = tpu.memref_slice %arg4[%mul3A_2] : memref<4096xi32, #tpu.memory_space<hbm>> -> memref<64xi32, #tpu.memory_space<hbm>>
    %dma_start3A_9 = tpu.memref_slice %arg4[%mul3A_2] : memref<4096xi32, #tpu.memory_space<hbm>> -> memref<64xi32, #tpu.memory_space<hbm>>
    tpu.enqueue_dma source(%dma_start3A_9 : memref<64xi32, #tpu.memory_space<hbm>>) target(%arg9 : memref<64xi32, #tpu.memory_space<vmem>>) target_semaphore(%arg15 : memref<!tpu.dma_semaphore, #tpu.memory_space<semaphore_mem>>)
    %add3A_10 = arith.constant 64 : i32
    %add3A_11 = arith.addi %mul3A_2, %add3A_10 : i32
    %dma_start3A_12 = tpu.memref_slice %arg4[%add3A_11] : memref<4096xi32, #tpu.memory_space<hbm>> -> memref<64xi32, #tpu.memory_space<hbm>>
    %dma_start3A_13 = tpu.memref_slice %arg4[%add3A_11] : memref<4096xi32, #tpu.memory_space<hbm>> -> memref<64xi32, #tpu.memory_space<hbm>>
    tpu.enqueue_dma source(%dma_start3A_13 : memref<64xi32, #tpu.memory_space<hbm>>) target(%arg10 : memref<64xi32, #tpu.memory_space<vmem>>) target_semaphore(%arg16 : memref<!tpu.dma_semaphore, #tpu.memory_space<semaphore_mem>>)
    %dma_wait3A = tpu.memref_slice %arg4[%mul3A_2] : memref<4096xi32, #tpu.memory_space<hbm>> -> memref<64xi32, #tpu.memory_space<hbm>>
    %dma_wait3A_14 = tpu.memref_slice %arg4[%mul3A_2] : memref<4096xi32, #tpu.memory_space<hbm>> -> memref<64xi32, #tpu.memory_space<hbm>>
    tpu.wait_dma2 semaphore(%arg15 : memref<!tpu.dma_semaphore, #tpu.memory_space<semaphore_mem>>) src(%dma_wait3A_14 : memref<64xi32, #tpu.memory_space<hbm>>) dst(%arg9 : memref<64xi32, #tpu.memory_space<vmem>>)
    %dma_start3A_15 = arith.constant 0 : i32
    %dma_start3A_16 = arith.constant 0 : i32
    %dma_start3A_17 = tpu.memref_slice %arg2[%dma_start3A_15, %dma_start3A_16] : memref<4096x128xf32, #tpu.memory_space<hbm>> -> memref<4096x128xf32, #tpu.memory_space<hbm>>
    tpu.enqueue_indirect_dma source(%dma_start3A_17 : memref<4096x128xf32, #tpu.memory_space<hbm>>) target(%arg11 : memref<64x128xf32, #tpu.memory_space<vmem>>) offsets(%arg9 : memref<64xi32, #tpu.memory_space<vmem>>) semaphore(%arg17 : memref<!tpu.dma_semaphore, #tpu.memory_space<semaphore_mem>>)
    %dma_wait3A_18 = tpu.memref_slice %arg4[%add3A_11] : memref<4096xi32, #tpu.memory_space<hbm>> -> memref<64xi32, #tpu.memory_space<hbm>>
    %dma_wait3A_19 = tpu.memref_slice %arg4[%add3A_11] : memref<4096xi32, #tpu.memory_space<hbm>> -> memref<64xi32, #tpu.memory_space<hbm>>
    tpu.wait_dma2 semaphore(%arg16 : memref<!tpu.dma_semaphore, #tpu.memory_space<semaphore_mem>>) src(%dma_wait3A_19 : memref<64xi32, #tpu.memory_space<hbm>>) dst(%arg10 : memref<64xi32, #tpu.memory_space<vmem>>)
    %dma_start3A_20 = arith.constant 0 : i32
    %dma_start3A_21 = arith.constant 0 : i32
    %dma_start3A_22 = tpu.memref_slice %arg2[%dma_start3A_20, %dma_start3A_21] : memref<4096x128xf32, #tpu.memory_space<hbm>> -> memref<4096x128xf32, #tpu.memory_space<hbm>>
    tpu.enqueue_indirect_dma source(%dma_start3A_22 : memref<4096x128xf32, #tpu.memory_space<hbm>>) target(%arg12 : memref<64x128xf32, #tpu.memory_space<vmem>>) offsets(%arg10 : memref<64xi32, #tpu.memory_space<vmem>>) semaphore(%arg18 : memref<!tpu.dma_semaphore, #tpu.memory_space<semaphore_mem>>)
    %dma_wait3A_23 = arith.constant 0 : i32
    %dma_wait3A_24 = arith.constant 0 : i32
    %dma_wait3A_25 = tpu.memref_slice %arg2[%dma_wait3A_23, %dma_wait3A_24] : memref<4096x128xf32, #tpu.memory_space<hbm>> -> memref<4096x128xf32, #tpu.memory_space<hbm>>
    tpu.wait_indirect_dma semaphore(%arg17 : memref<!tpu.dma_semaphore, #tpu.memory_space<semaphore_mem>>) src(%dma_wait3A_25 : memref<4096x128xf32, #tpu.memory_space<hbm>>) dst(%arg11 : memref<64x128xf32, #tpu.memory_space<vmem>>)
    %dma_wait3A_26 = tpu.memref_slice %arg3[%mul3A_2] : memref<4096xi32, #tpu.memory_space<hbm>> -> memref<64xi32, #tpu.memory_space<hbm>>
    %dma_wait3A_27 = tpu.memref_slice %arg3[%mul3A_2] : memref<4096xi32, #tpu.memory_space<hbm>> -> memref<64xi32, #tpu.memory_space<hbm>>
    tpu.wait_dma2 semaphore(%arg13 : memref<!tpu.dma_semaphore, #tpu.memory_space<semaphore_mem>>) src(%dma_wait3A_27 : memref<64xi32, #tpu.memory_space<hbm>>) dst(%arg7 : memref<64xi32, #tpu.memory_space<vmem>>)
    %dma_start3A_28 = arith.constant 0 : i32
    %dma_start3A_29 = arith.constant 0 : i32
    %dma_start3A_30 = tpu.memref_slice %arg5[%dma_start3A_28, %dma_start3A_29] : memref<100000x128xf32, #tpu.memory_space<hbm>> -> memref<100000x128xf32, #tpu.memory_space<hbm>>
    tpu.enqueue_indirect_dma source(%arg11 : memref<64x128xf32, #tpu.memory_space<vmem>>) target(%dma_start3A_30 : memref<100000x128xf32, #tpu.memory_space<hbm>>) offsets(%arg7 : memref<64xi32, #tpu.memory_space<vmem>>) semaphore(%arg19 : memref<!tpu.dma_semaphore, #tpu.memory_space<semaphore_mem>>)
    %dma_wait3A_31 = arith.constant 0 : i32
    %dma_wait3A_32 = arith.constant 0 : i32
    %dma_wait3A_33 = tpu.memref_slice %arg2[%dma_wait3A_31, %dma_wait3A_32] : memref<4096x128xf32, #tpu.memory_space<hbm>> -> memref<4096x128xf32, #tpu.memory_space<hbm>>
    tpu.wait_indirect_dma semaphore(%arg18 : memref<!tpu.dma_semaphore, #tpu.memory_space<semaphore_mem>>) src(%dma_wait3A_33 : memref<4096x128xf32, #tpu.memory_space<hbm>>) dst(%arg12 : memref<64x128xf32, #tpu.memory_space<vmem>>)
    %dma_wait3A_34 = tpu.memref_slice %arg3[%add3A_5] : memref<4096xi32, #tpu.memory_space<hbm>> -> memref<64xi32, #tpu.memory_space<hbm>>
    %dma_wait3A_35 = tpu.memref_slice %arg3[%add3A_5] : memref<4096xi32, #tpu.memory_space<hbm>> -> memref<64xi32, #tpu.memory_space<hbm>>
    tpu.wait_dma2 semaphore(%arg14 : memref<!tpu.dma_semaphore, #tpu.memory_space<semaphore_mem>>) src(%dma_wait3A_35 : memref<64xi32, #tpu.memory_space<hbm>>) dst(%arg8 : memref<64xi32, #tpu.memory_space<vmem>>)
    %dma_start3A_36 = arith.constant 0 : i32
    %dma_start3A_37 = arith.constant 0 : i32
    %dma_start3A_38 = tpu.memref_slice %arg5[%dma_start3A_36, %dma_start3A_37] : memref<100000x128xf32, #tpu.memory_space<hbm>> -> memref<100000x128xf32, #tpu.memory_space<hbm>>
    tpu.enqueue_indirect_dma source(%arg12 : memref<64x128xf32, #tpu.memory_space<vmem>>) target(%dma_start3A_38 : memref<100000x128xf32, #tpu.memory_space<hbm>>) offsets(%arg8 : memref<64xi32, #tpu.memory_space<vmem>>) semaphore(%arg20 : memref<!tpu.dma_semaphore, #tpu.memory_space<semaphore_mem>>)
    %dma_wait3A_39 = arith.constant 0 : i32
    %dma_wait3A_40 = arith.constant 0 : i32
    %dma_wait3A_41 = tpu.memref_slice %arg5[%dma_wait3A_39, %dma_wait3A_40] : memref<100000x128xf32, #tpu.memory_space<hbm>> -> memref<100000x128xf32, #tpu.memory_space<hbm>>
    tpu.wait_indirect_dma semaphore(%arg19 : memref<!tpu.dma_semaphore, #tpu.memory_space<semaphore_mem>>) src(%arg11 : memref<64x128xf32, #tpu.memory_space<vmem>>) dst(%dma_wait3A_41 : memref<100000x128xf32, #tpu.memory_space<hbm>>)
    %dma_wait3A_42 = arith.constant 0 : i32
    %dma_wait3A_43 = arith.constant 0 : i32
    %dma_wait3A_44 = tpu.memref_slice %arg5[%dma_wait3A_42, %dma_wait3A_43] : memref<100000x128xf32, #tpu.memory_space<hbm>> -> memref<100000x128xf32, #tpu.memory_space<hbm>>
    tpu.wait_indirect_dma semaphore(%arg20 : memref<!tpu.dma_semaphore, #tpu.memory_space<semaphore_mem>>) src(%arg12 : memref<64x128xf32, #tpu.memory_space<vmem>>) dst(%dma_wait3A_44 : memref<100000x128xf32, #tpu.memory_space<hbm>>)
    return
  }
}

module attributes {stable_mosaic.version = 14 : i64} {
  func.func @_tc_body(%arg0: i32, %arg1: memref<1x1x512xi32, #tpu.memory_space<vmem>>, %arg2: memref<1x4096xi32, #tpu.memory_space<vmem>>, %arg3: memref<512x128xf32, #tpu.memory_space<vmem>>, %arg4: memref<128x1000xf32, #tpu.memory_space<vmem>>, %arg5: memref<1x1000xf32, #tpu.memory_space<vmem>>, %arg6: memref<1x10000x128xf32, #tpu.memory_space<vmem>>, %arg7: memref<512x1000xf32, #tpu.memory_space<vmem>>, %arg8: memref<1x1x512xi32, #tpu.memory_space<vmem>>, %arg9: memref<1x10000x128xf32, #tpu.memory_space<vmem>>) attributes {dimension_semantics = [#tpu.dimension_semantics<arbitrary>], iteration_bounds = array<i64: 10>, scalar_prefetch = 0 : i64, scratch_operands = 0 : i64, tpu.core_type = #tpu.core_type<tc>, window_params = [{transform_indices = @transform_0, window_bounds = array<i64: 1, 1, 512>}, {pipeline_mode = #tpu.pipeline_mode<synchronous>, transform_indices = @transform_1, window_bounds = array<i64: 1, 4096>}, {transform_indices = @transform_2, window_bounds = array<i64: 512, 128>}, {pipeline_mode = #tpu.pipeline_mode<synchronous>, transform_indices = @transform_3, window_bounds = array<i64: 128, 1000>}, {pipeline_mode = #tpu.pipeline_mode<synchronous>, transform_indices = @transform_4, window_bounds = array<i64: 1, 1000>}, {transform_indices = @transform_5, window_bounds = array<i64: 1, 10000, 128>}, {transform_indices = @transform_6, window_bounds = array<i64: 512, 1000>}, {transform_indices = @transform_7, window_bounds = array<i64: 1, 1, 512>}, {transform_indices = @transform_8, window_bounds = array<i64: 1, 10000, 128>}]} {
    %get3A = arith.constant 0 : index
    %get3A_0 = arith.constant 0 : index
    %get3A_1 = arith.constant 0 : index
    %get3A_2 = vector.load %arg6[%get3A, %get3A_0, %get3A_1] : memref<1x10000x128xf32, #tpu.memory_space<vmem>>, vector<1x10000x128xf32>
    %swap3A = arith.constant 0 : index
    %swap3A_3 = arith.constant 0 : index
    %swap3A_4 = arith.constant 0 : index
    %swap3A_5 = vector.load %arg9[%swap3A, %swap3A_3, %swap3A_4] : memref<1x10000x128xf32, #tpu.memory_space<vmem>>, vector<1x10000x128xf32>
    tpu.vector_store %arg9[%swap3A, %swap3A_3, %swap3A_4], %get3A_2 {strides = array<i32>} : memref<1x10000x128xf32, #tpu.memory_space<vmem>>, vector<1x10000x128xf32>,
    %lt3A = arith.constant 8 : i32
    %lt3A_6 = arith.cmpi slt, %arg0, %lt3A : i32
    %convert_element_type3A = arith.extui %lt3A_6 : i1 to i32
    %cond3A = arith.constant 0 : i32
    %cond3A_7 = arith.cmpi ne, %convert_element_type3A, %cond3A : i32
    scf.if %cond3A_7 {
      %get3A_8 = arith.constant 0 : index
      %get3A_9 = arith.constant 0 : index
      %get3A_10 = vector.load %arg3[%get3A_8, %get3A_9] : memref<512x128xf32, #tpu.memory_space<vmem>>, vector<512x128xf32>
      %get3A_11 = arith.constant 0 : index
      %get3A_12 = arith.constant 0 : index
      %get3A_13 = vector.load %arg4[%get3A_11, %get3A_12] : memref<128x1000xf32, #tpu.memory_space<vmem>>, vector<128x1000xf32>
      %dot_general3A = arith.constant dense<0.000000e+00> : vector<512x1000xf32>
      %dot_general3A_14 = tpu.matmul %get3A_10, %get3A_13, %dot_general3A {dimension_numbers = #tpu.dot_dimension_numbers<[1], [0], [0], [1], [0, 0, 1, 1], [], []>, transpose_lhs_hint = false} : vector<512x128xf32>, vector<128x1000xf32>, vector<512x1000xf32> -> vector<512x1000xf32>
      %get3A_15 = arith.constant 0 : index
      %get3A_16 = arith.constant 0 : index
      %get3A_17 = vector.load %arg5[%get3A_15, %get3A_16] : memref<1x1000xf32, #tpu.memory_space<vmem>>, vector<1x1000xf32>
      %add3A = vector.broadcast %get3A_17 : vector<1x1000xf32> to vector<512x1000xf32>
      %add3A_18 = arith.addf %dot_general3A_14, %add3A : vector<512x1000xf32>
      %swap3A_19 = arith.constant 0 : index
      %swap3A_20 = arith.constant 0 : index
      %swap3A_21 = vector.load %arg7[%swap3A_19, %swap3A_20] : memref<512x1000xf32, #tpu.memory_space<vmem>>, vector<512x1000xf32>
      tpu.vector_store %arg7[%swap3A_19, %swap3A_20], %add3A_18 {strides = array<i32>} : memref<512x1000xf32, #tpu.memory_space<vmem>>, vector<512x1000xf32>,
      %get3A_22 = arith.constant 0 : index
      %get3A_23 = arith.constant 0 : index
      %get3A_24 = arith.constant 0 : index
      %get3A_25 = vector.load %arg1[%get3A_22, %get3A_23, %get3A_24] : memref<1x1x512xi32, #tpu.memory_space<vmem>>, vector<1x1x512xi32>
      %get3A_26 = vector.shape_cast %get3A_25 : vector<1x1x512xi32> to vector<512xi32>
      %reshape3A = vector.shape_cast %get3A_26 : vector<512xi32> to vector<512x1xi32>
      %get3A_27 = arith.constant 0 : index
      %get3A_28 = arith.constant 0 : index
      %get3A_29 = vector.load %arg2[%get3A_27, %get3A_28] : memref<1x4096xi32, #tpu.memory_space<vmem>>, vector<1x4096xi32>
      %eq3A = vector.broadcast %reshape3A : vector<512x1xi32> to vector<512x4096xi32>
      %eq3A_30 = vector.broadcast %get3A_29 : vector<1x4096xi32> to vector<512x4096xi32>
      %eq3A_31 = arith.cmpi eq, %eq3A, %eq3A_30 : vector<512x4096xi32>
      %iota3A = tpu.iota {dimensions = array<i32: 1>} : vector<512x4096xi32>
      %jit3A = arith.constant -1 : i32
      %broadcast_in_dim3A = vector.broadcast %jit3A : i32 to vector<512x4096xi32>
      %select_n3A = arith.select %eq3A_31, %iota3A, %broadcast_in_dim3A : vector<512x4096xi1>, vector<512x4096xi32>
      %reduce_max3A = arith.constant dense<-2147483648> : vector<512xi32>
      %reduce_max3A_32 = vector.multi_reduction <maxsi>, %select_n3A, %reduce_max3A [1] : vector<512x4096xi32> to vector<512xi32>
      %swap3A_33 = arith.constant 0 : index
      %swap3A_34 = arith.constant 0 : index
      %swap3A_35 = arith.constant 0 : index
      %swap3A_36 = vector.load %arg8[%swap3A_33, %swap3A_34, %swap3A_35] : memref<1x1x512xi32, #tpu.memory_space<vmem>>, vector<1x1x512xi32>
      %swap3A_37 = vector.shape_cast %swap3A_36 : vector<1x1x512xi32> to vector<512xi32>
      %swap3A_38 = vector.shape_cast %reduce_max3A_32 : vector<512xi32> to vector<1x1x512xi32>
      tpu.vector_store %arg8[%swap3A_33, %swap3A_34, %swap3A_35], %swap3A_38 {strides = array<i32>} : memref<1x1x512xi32, #tpu.memory_space<vmem>>, vector<1x1x512xi32>,
    } else {
    }
    return
  }
  func.func @transform_0(%arg0: i32) -> (i32, i32, i32) {
    %min3A = arith.constant 7 : i32
    %min3A_0 = arith.minsi %arg0, %min3A : i32
    %c0_i32 = arith.constant 0 : i32
    %c0_i32_1 = arith.constant 0 : i32
    %c0_i32_2 = arith.constant 0 : i32
    return %min3A_0, %c0_i32, %c0_i32_1 : i32, i32, i32
  }
  func.func @transform_1(%arg0: i32) -> (i32, i32) {
    %c0_i32 = arith.constant 0 : i32
    %c0_i32_0 = arith.constant 0 : i32
    %c0_i32_1 = arith.constant 0 : i32
    return %c0_i32, %c0_i32_0 : i32, i32
  }
  func.func @transform_2(%arg0: i32) -> (i32, i32) {
    %min3A = arith.constant 7 : i32
    %min3A_0 = arith.minsi %arg0, %min3A : i32
    %c0_i32 = arith.constant 0 : i32
    %c0_i32_1 = arith.constant 0 : i32
    return %min3A_0, %c0_i32 : i32, i32
  }
  func.func @transform_3(%arg0: i32) -> (i32, i32) {
    %c0_i32 = arith.constant 0 : i32
    %c0_i32_0 = arith.constant 0 : i32
    %c0_i32_1 = arith.constant 0 : i32
    return %c0_i32, %c0_i32_0 : i32, i32
  }
  func.func @transform_4(%arg0: i32) -> (i32, i32) {
    %c0_i32 = arith.constant 0 : i32
    %c0_i32_0 = arith.constant 0 : i32
    %c0_i32_1 = arith.constant 0 : i32
    return %c0_i32, %c0_i32_0 : i32, i32
  }
  func.func @transform_5(%arg0: i32) -> (i32, i32, i32) {
    %c0_i32 = arith.constant 0 : i32
    %c0_i32_0 = arith.constant 0 : i32
    %c0_i32_1 = arith.constant 0 : i32
    return %arg0, %c0_i32, %c0_i32_0 : i32, i32, i32
  }
  func.func @transform_6(%arg0: i32) -> (i32, i32) {
    %min3A = arith.constant 7 : i32
    %min3A_0 = arith.minsi %arg0, %min3A : i32
    %c0_i32 = arith.constant 0 : i32
    %c0_i32_1 = arith.constant 0 : i32
    return %min3A_0, %c0_i32 : i32, i32
  }
  func.func @transform_7(%arg0: i32) -> (i32, i32, i32) {
    %min3A = arith.constant 7 : i32
    %min3A_0 = arith.minsi %arg0, %min3A : i32
    %c0_i32 = arith.constant 0 : i32
    %c0_i32_1 = arith.constant 0 : i32
    %c0_i32_2 = arith.constant 0 : i32
    return %min3A_0, %c0_i32, %c0_i32_1 : i32, i32, i32
  }
  func.func @transform_8(%arg0: i32) -> (i32, i32, i32) {
    %c0_i32 = arith.constant 0 : i32
    %c0_i32_0 = arith.constant 0 : i32
    %c0_i32_1 = arith.constant 0 : i32
    return %arg0, %c0_i32, %c0_i32_0 : i32, i32, i32
  }
}

</mosaic_0001>

<sc_bundles>
// kernel: kernel.4.cloned.1.call-start
scs
__scs_entry_jumppad:
0x0: {  	(pc) =	sbr.rel $0x88, $3  }
0x1: {  	(tag) =	ssettag $0x0;
	lr =	simm.s32 $0x1  }
0x2: {  	[smem:$0x3F9C] =	sst lr;
	_ =	strace $0xD0000000  }
0x3: {  	_ = 	snop  }
0x4: {  	_ = 	snop  }
0x5: {  	_ = 	snop  }
0x6: {  	_ = 	snop  }
0x7: {  	_ = 	snop  }
__scs_overlays_trampoline_lowered:
0x8: {  	[smem:$0x3FAB] =	sst s0  }
0x9: {  	[smem:$0x3FAC] =	sst s1  }
0xa: {  	[smem:$0x3FAD] =	sst s2  }
0xb: {  	[smem:$0x3FAE] =	sst s3  }
0xc: {  	[smem:$0x3FAF] =	sst s4  }
0xd: {  	[smem:$0x3FB0] =	sst s5  }
0xe: {  	[smem:$0x3FB1] =	sst s6  }
0xf: {  	[smem:$0x3FB2] =	sst s7  }
0x10: {  	[smem:$0x3FB3] =	sst s8  }
0x11: {  	[smem:$0x3FB4] =	sst s9;
	s0 =	simm.s32 @!p0 $0x0  }
0x12: {  	s1 =	sld [smem:$0x3F9A];
	s0 =	simm.s32 @p0 $0x1  }
0x13: {  	[smem:$0x3FB5] =	sst s0;
	s0 =	simm.s32 @!p1 $0x0  }
0x14: {  	s2 =	sld [smem:$0x3F99];
	s0 =	simm.s32 @p1 $0x1  }
0x15: {  	[smem:$0x3FB6] =	sst s0;
	s0 =	simm.s32 @!p2 $0x0  }
0x16: {  	s3 =	sld [smem:$0x3FDB];
	s0 =	simm.s32 @p2 $0x1  }
0x17: {  	s4 =	simm.s32 $0x1BF5;
	[smem:$0x3FB8] =	sst s0  }
0x18: {  	s0 =	sld [smem:$0x3F9B];
	_ =	swait.ge [sflag:s4], $0x0  }
0x19: {  	s7 =	sld [smem:$0x3F9C]  }
0x1a: {  	s8 =	sadd.s32 $0xFFFFE003, lr  }
0x1b: {  	s9 =	sadd.s32 $0xFFFFFEF7, lr;
	s5 =	simm.s32 $0xFFFFFFFF;
	p2 =	slt.u32 s8, $0xFFFFF086  }
0x1c: {  	p1 =	slt.u32 s9, $0xF7A;
	s5 =	simm.s32 @!p2 $0x0  }
0x1d: {  	s5 =	simm.s32 @p1 $0x1;
	p0 =	seq.s32 s7, s2  }
0x1e: {  	s7 =	smul.u32 @!p0 $0xF7A, s2;
	p2 =	seq.s32 @!p0 s5, $0x0  }
0x1f: {  	s9 =	smul.u32 $0xF7A, s1;
	s8 =	simm.s32 @!p0 $0x1BF5;
	p2 =	por !p2, p0  }
0x20: {  	[sflag:s8] =	ssyncset.s32 @!p0 $0xFFFFF086;
	s6 =	sadd.s32 @!p0 s3, s7;
	s7 =	simm.s32 @!p0 $0x108  }
0x21: {  	s3 =	sadd.s32 s3, s9;
	s6 =	sadd.s32 @!p0 $0x88, s6;
	s7 =	simm.s32 @p2 $0x1082  }
0x22: {  	[simem:s7], [sflag:s8] =	dma.local @!p0 [hbm:s6], $0xF7A  }
0x23: {  	s9 =	sor.u32 $0xD0000000, s2;
	s6 =	simm.s32 $0x108;
	_ =	swait.ge @!p0 [sflag:s8], $0x0  }
0x24: {  	s3 =	sadd.s32 $0x88, s3;
	s6 =	simm.s32 @!p1 $0x1082;
	[sflag:s4] =	ssyncset.s32 $0xFFFFF086  }
0x25: {  	[simem:s6], [sflag:s4] =	dma.local [hbm:s3], $0xF7A  }
0x26: {  	[smem:$0x3F9C] =	sst s1;
	(tag) =	ssettag s2;
	_ =	strace s9  }
0x27: {  	s1 =	sld [smem:$0x3FAC]  }
0x28: {  	s2 =	sld [smem:$0x3FAD]  }
0x29: {  	s4 =	sld [smem:$0x3FAF]  }
0x2a: {  	p0 =	seq.s32 s5, $0x0;
	s5 =	sld [smem:$0x3FB0]  }
0x2b: {  	s6 =	sld [smem:$0x3FB1]  }
0x2c: {  	s7 =	sld [smem:$0x3FB2]  }
0x2d: {  	s3 =	simm.s32 $0x108;
	s8 =	sld [smem:$0x3FB3]  }
0x2e: {  	s3 =	simm.s32 @!p0 $0x1082;
	s9 =	sld [smem:$0x3FB4]  }
0x2f: {  	lr =	sadd.s32 s0, s3;
	s0 =	sld [smem:$0x3FAB]  }
0x30: {  	s3 =	sld [smem:$0x3FAE]  }
0x31: {  	[smem:$0x3FB7] =	sst s10  }
0x32: {  	s10 =	sld [smem:$0x3FB5];
	_ =	sdelay $0x3  }
0x33: {  	p0 =	seq.s32 s10, $0x1;
	s10 =	sld [smem:$0x3FB7];
	_ =	sdelay $0x3  }
0x34: {  	[smem:$0x3FB7] =	sst s10  }
0x35: {  	s10 =	sld [smem:$0x3FB6];
	_ =	sdelay $0x3  }
0x36: {  	p1 =	seq.s32 s10, $0x1;
	s10 =	sld [smem:$0x3FB7];
	_ =	sdelay $0x3  }
0x37: {  	[smem:$0x3FB7] =	sst s10  }
0x38: {  	s10 =	sld [smem:$0x3FB8]  }
0x39: {  	_ = 	snop;
	(pc) =	sbr.ind lr, $3  }
0x3a: {  	_ = 	snop  }
0x3b: {  	_ = 	snop  }
0x3c: {  	p2 =	seq.s32 s10, $0x1;
	s10 =	sld [smem:$0x3FB7]  }
0x3d: {  	_ =	shalt  }
0x3e: {  	_ =	shalt  }
0x3f: {  	_ =	shalt  }
0x40: {  	_ =	shalt  }
0x41: {  	_ =	shalt  }
0x42: {  	_ =	shalt  }
0x43: {  	_ =	shalt  }
0x44: {  	_ =	shalt  }
0x45: {  	_ =	shalt  }
0x46: {  	_ =	shalt  }
0x47: {  	_ =	shalt  }
0x48: {  	_ =	shalt  }
0x49: {  	_ =	shalt  }
0x4a: {  	_ =	shalt  }
0x4b: {  	_ =	shalt  }
0x4c: {  	_ =	shalt  }
0x4d: {  	_ =	shalt  }
0x4e: {  	_ =	shalt  }
0x4f: {  	_ =	shalt  }
0x50: {  	_ =	shalt  }
0x51: {  	_ =	shalt  }
0x52: {  	_ =	shalt  }
0x53: {  	_ =	shalt  }
0x54: {  	_ =	shalt  }
0x55: {  	_ =	shalt  }
0x56: {  	_ =	shalt  }
0x57: {  	_ =	shalt  }
0x58: {  	_ =	shalt  }
0x59: {  	_ =	shalt  }
0x5a: {  	_ =	shalt  }
0x5b: {  	_ =	shalt  }
0x5c: {  	_ =	shalt  }
0x5d: {  	_ =	shalt  }
0x5e: {  	_ =	shalt  }
0x5f: {  	_ =	shalt  }
0x60: {  	_ =	shalt  }
0x61: {  	_ =	shalt  }
0x62: {  	_ =	shalt  }
0x63: {  	_ =	shalt  }
0x64: {  	_ =	shalt  }
0x65: {  	_ =	shalt  }
0x66: {  	_ =	shalt  }
0x67: {  	_ =	shalt  }
0x68: {  	_ =	shalt  }
0x69: {  	_ =	shalt  }
0x6a: {  	_ =	shalt  }
0x6b: {  	_ =	shalt  }
0x6c: {  	_ =	shalt  }
0x6d: {  	_ =	shalt  }
0x6e: {  	_ =	shalt  }
0x6f: {  	_ =	shalt  }
0x70: {  	_ =	shalt  }
0x71: {  	_ =	shalt  }
0x72: {  	_ =	shalt  }
0x73: {  	_ =	shalt  }
0x74: {  	_ =	shalt  }
0x75: {  	_ =	shalt  }
0x76: {  	_ =	shalt  }
0x77: {  	_ =	shalt  }
0x78: {  	_ =	shalt  }
0x79: {  	_ =	shalt  }
0x7a: {  	_ =	shalt  }
0x7b: {  	_ =	shalt  }
0x7c: {  	_ =	shalt  }
0x7d: {  	_ =	shalt  }
0x7e: {  	_ =	shalt  }
0x7f: {  	_ =	shalt  }
0x80: {  	_ =	shalt  }
0x81: {  	_ =	shalt  }
0x82: {  	_ =	shalt  }
0x83: {  	_ =	shalt  }
0x84: {  	_ =	shalt  }
0x85: {  	_ =	shalt  }
0x86: {  	_ =	shalt  }
0x87: {  	_ =	shalt  }
.Lfunc_end0:
.L_simem_size_0:
called_computation_lowered:
.L_overlay_start_0:
0x88: {  	s2 =	sld [smem:$0x3FD9]  }
0x89: {  	s3 =	sld [smem:$0x3FFE];
	_ =	sdelay $0x1  }
0x8a: {  	s1 =	srdreg.scid  }
0x8b: {  	s0 =	sand.u32 $0x1, s1  }
0x8c: {  	s14 =	sshll.u32 s0, $0xA;
	s2 =	sadd.s32 s3, s2  }
0x8d: {  	s2 =	sadd.s32 s2, s14  }
0x8e: {  	[smem:$0x3FC3] =	sst s2  }
0x8f: {  	_ = 	snop  }
0x90: {  	s2 =	sld [smem:$0x3FD0];
	_ =	sdelay $0x1  }
0x91: {  	s15 =	sld [smem:$0x3FC9]  }
0x92: {  	s5 =	simm.s32 $0xA;
	s6 =	simm.s32 $0x10;
	s4 =	sld [smem:$0x3FC7]  }
0x93: {  	[smem:s6], [sflag:s5] =	dma.local [hbm:s2], $0x1  }
0x94: {  	_ =	swait.eq [sflag:s5], $0x1  }
0x95: {  	[sflag:s5] =	ssyncset.done $0x0  }
0x96: {  	[sflag:s5] =	ssyncadd.s32 $0xFFFFFFFF  }
0x97: {  	s16 =	sld [smem:$0x11];
	(tm) =	ssettm $0x1  }
0x98: {  	s17 =	sld [smem:$0x3FFB];
	_ =	sdelay $0x3  }
0x99: {  	_ =	strace s17  }
0x9a: {  	s5 =	sld [smem:$0x3FFC];
	_ =	sdelay $0x3  }
0x9b: {  	_ =	strace s5  }
0x9c: {  	s5 =	sld [smem:$0x3FFD];
	_ =	sdelay $0x3  }
0x9d: {  	_ =	strace s5  }
0x9e: {  	_ =	strace $0x8FFFFFFF  }
0x9f: {  	s18 =	sld [smem:$0x3FDB];
	_ =	sdelay $0x1  }
0xa0: {  	s19 =	simm.s32 $_scs_section_size  }
0xa1: {  	s7 =	simm.s32 $_size__tile_overlayer_lowered;
	s8 =	simm.s32 $_tile_overlayer_lowered  }
0xa2: {  	s22 =	simm.s32 $0x1BFF;
	s21 =	sshll.u32 s8, $0x1;
	s5 =	sadd.s32 s19, s18  }
0xa3: {  	s9 =	simm.s32 $0x0;
	s20 =	sshll.u32 s7, $0x1;
	s7 =	sadd.s32 s21, s5  }
0xa4: {  	[timem:s9], [sflag:s22] =	dma.local [hbm:s7], s20  }
0xa5: {  	_ =	swait.ge [sflag:s22], s20  }
0xa6: {  	s6 =	ssub.s32 $0x0, s20;
	[sflag:s22] =	ssyncset.done $0x0  }
0xa7: {  	[sflag:s22] =	ssyncadd.s32 s6;
	_ =	sdelay $0x1  }
0xa8: {  	s23 =	simm.s32 $0x1B8B  }
0xa9: {  	_ =	swait.ge [sflag:s23], $0x1  }
0xaa: {  	[sflag:s23] =	ssyncset.done $0x0  }
0xab: {  	s25 =	simm.s32 $0x1B8E;
	s24 =	sld [smem:$0x3FFE];
	[sflag:s23] =	ssyncadd.s32 $0xFFFFFFFF  }
0xac: {  	s26 =	simm.s32 $execute0_lowered;
	[smem:$0x3FD2] =	sst s25  }
0xad: {  	s7 =	sshll.u32 s26, $0x1;
	_ =	strace $0x80000046;
	[dreg:$0x1] =	wrdreg $0xFFFFFFFF  }
0xae: {  	s28 =	simm.s32 $_size_execute0_lowered;
	s5 =	sadd.s32 s5, s7;
	[dreg:$0x0] =	wrdreg $0x0  }
0xaf: {  	s7 =	sshll.u32 s28, $0x1;
	[dreg:$0x2] =	wrdreg s5  }
0xb0: {  	[dreg:$0x3] =	wrdreg s7  }
0xb1: {  	[dreg:$0x4] =	wrdreg $0xC0  }
0xb2: {  	_ =	task [dreg:s9], $0x5FFFF  }
0xb3: {  	[dreg:$0x1] =	wrdreg $0xFFFFFFFF  }
0xb4: {  	[dreg:$0x0] =	wrdreg $0x60  }
0xb5: {  	[dreg:$0x2] =	wrdreg s15  }
0xb6: {  	[dreg:$0x3] =	wrdreg s4  }
0xb7: {  	[dreg:$0x4] =	wrdreg s24  }
0xb8: {  	[dreg:$0x5] =	wrdreg s16  }
0xb9: {  	[dreg:$0x6] =	wrdreg $0x9  }
0xba: {  	_ =	task.clear_ibuf [dreg:s9], $0x7FFFF;
	_ =	strace $0x90000046  }
0xbb: {  	s29 =	simm.s32 $0x9;
	_ =	strace $0x80000048  }
0xbc: {  	_ =	swait.ge [sflag:s29], $0x1  }
0xbd: {  	[sflag:s29] =	ssyncadd.s32 $0xFFFFFFFF  }
0xbe: {  	_ =	strace $0x90000048  }
0xbf: {  	_ =	sfence  }
0xc0: {  	s30 =	sld [smem:$0x0];
	_ =	sdelay $0x2  }
0xc1: {  	s31 =	sshll.u32 s1, $0xD;
	s1 =	sshrl.u32 s1, $0x2  }
0xc2: {  	s3 =	sand.u32 $0x4000, s31;
	s1 =	sadd.s32 s1, s30  }
0xc3: {  	s0 =	sor.u32 s3, s0;
	s1 =	sshll.u32 s1, $0x11  }
0xc4: {  	s0 =	sor.u32 s1, s0  }
0xc5: {  	s0 =	sadd.s32 $0x8F2B, s0  }
0xc6: {  	[sflag:s0] =	ssyncadd.remote.s32 $0x1  }
0xc7: {  	_ =	sfence.sel $0xFFFF  }
0xc8: {  	[dreg:$0x0] =	wrdreg $0xFFFFFFFF;
	(pc) =	sbr.abs _section_cstart, $3  }
0xc9: {  	[dreg:$0x1] =	wrdreg $0xFFFFFFFF  }
0xca: {  	_ =	task.clear_ibuf [dreg:s9], $0x2FFFF;
	_ =	strace $0x9FFFFFFF  }
0xcb: {  	(tm) =	ssettm $0x7FFFFFFF  }
tec
execute0_lowered:
.L_overlay_start_1:
0x0: {  	(tag) =	ssettag $0x1  }
0x1: {  	s1 =	rddreg [dreg:$0x0]  }
0x2: {  	s6 =	rddreg [dreg:$0x1]  }
0x3: {  	s7 =	rddreg [dreg:$0x2]  }
0x4: {  	s3 =	rddreg [dreg:$0x3];
	s4 =	srdreg.scid  }
0x5: {  	s0 =	rddreg [dreg:$0x4];
	s2 =	stileid.u32;
	s21 =	sand.u32 $0x1, s4  }
0x6: {  	s4 =	simm.s32 $0x0;
	s5 =	sshll.u32 s2, $0x5;
	s8 =	sshll.u32 s21, $0x4  }
0x7: {  	[smem:$0x7FF] =	sst s4;
	s8 =	sor.u32 s8, s5  }
0x8: {  	_ =	strace $0x80000047;
	s5 =	sadd.s32 s6, s8;
	s10 =	sor.u32 $0x8, s8  }
0x9: {  	[tilespmem:s4], [sflag:$0x1] =	stream.linear.gather [hbm4b:s5+s4], $0x40, $0x38;
	[tilespmem:$0x4200] =	vst v63  }
0xa: {  	s11 =	sadd.s32 $0xE00, s7;
	s7 =	simm.s32 $0x80;
	s6 =	sadd.s32 s6, s10  }
0xb: {  	[tilespmem:s7], [sflag:$0x2] =	stream.linear.gather [hbm4b:s6+s4], $0x40, $0x38;
	[tilespmem:$0x4200] =	vst v63  }
0xc: {  	s9 =	simm.s32 $0x100;
	s8 =	sadd.s32 s11, s8  }
0xd: {  	[tilespmem:s9], [sflag:$0x3] =	stream.linear.gather [hbm4b:s8+s4], $0x40, $0x38;
	[tilespmem:$0x4200] =	vst v63  }
0xe: {  	s12 =	simm.s32 $0x3;
	s10 =	sadd.s32 s11, s10;
	s11 =	simm.s32 $0x180  }
0xf: {  	[tilespmem:s11], [sflag:$0x4] =	stream.linear.gather [hbm4b:s10+s4], $0x40, $0x38;
	[tilespmem:$0x4200] =	vst v63  }
0x10: {  	_ =	swait.ge [sflag:s12], $0x40  }
0x11: {  	s13 =	simm.s32 $0x40;
	[sflag:s12] =	ssyncset.done $0x0  }
0x12: {  	s14 =	simm.s32 $0x200;
	s15 =	simm.s32 $0x4;
	[sflag:s12] =	ssyncadd.s32 $0xFFFFFFC0  }
0x13: {  	[tilespmem:s14], [sflag:$0x5] =	stream.indirect.gather [hbm4b:s1+s13], $0x80, s9, s13, $0xb8;
	[tilespmem:$0x4200] =	vst v63  }
0x14: {  	_ =	swait.ge [sflag:s15], $0x40  }
0x15: {  	[sflag:s15] =	ssyncset.done $0x0  }
0x16: {  	s16 =	simm.s32 $0x2200;
	s17 =	simm.s32 $0x5;
	[sflag:s15] =	ssyncadd.s32 $0xFFFFFFC0  }
0x17: {  	[tilespmem:s16], [sflag:$0x6] =	stream.indirect.gather [hbm4b:s1+s13], $0x80, s11, s13, $0xb8;
	[tilespmem:$0x4200] =	vst v63  }
0x18: {  	_ =	swait.ge [sflag:s17], $0x2000  }
0x19: {  	[sflag:s17] =	ssyncset.done $0x0  }
0x1a: {  	s18 =	simm.s32 $0x1;
	[sflag:s17] =	ssyncadd.s32 $0xFFFFE000  }
0x1b: {  	_ =	swait.ge [sflag:s18], $0x40  }
0x1c: {  	[sflag:s18] =	ssyncset.done $0x0  }
0x1d: {  	s19 =	simm.s32 $0x6;
	[sflag:s18] =	ssyncadd.s32 $0xFFFFFFC0  }
0x1e: {  	[hbm4b:s3+s13] =	stream.indirect.scatter [tilespmem:s14], [sflag:$0x7], $0x80, s4, s13, $0xb8;
	[tilespmem:$0x4200] =	vst v63  }
0x1f: {  	_ =	swait.ge [sflag:s19], $0x2000  }
0x20: {  	s22 =	ssub.s32 $0x2, s21;
	[sflag:s19] =	ssyncset.done $0x0  }
0x21: {  	s20 =	simm.s32 $0x2;
	s23 =	sshrl.u32 s22, $0x1;
	[sflag:s19] =	ssyncadd.s32 $0xFFFFE000  }
0x22: {  	s22 =	ssub.s32 s22, s23;
	_ =	swait.ge [sflag:s20], $0x40  }
0x23: {  	s23 =	smax.u32 s22, $0x1;
	[sflag:s20] =	ssyncset.done $0x0  }
0x24: {  	s21 =	simm.s32 $0x7;
	p0 =	sne.s32 s23, $0x1;
	[sflag:s20] =	ssyncadd.s32 $0xFFFFFFC0  }
0x25: {  	[hbm4b:s3+s13] =	stream.indirect.scatter [tilespmem:s16], [sflag:$0x8], $0x80, s7, s13, $0xb8;
	[tilespmem:$0x4200] =	vst v63  }
.Ltmp0:
0x26: {  	_ =	swait.ge [sflag:s21], $0x2000;
	(pc) =	sbr.rel @!p0 .LBB2_2-.Ltmp0, $4  }
0x27: {  	[sflag:s21] =	ssyncset.done $0x0  }
0x28: {  	s22 =	simm.s32 $0x8;
	[sflag:s21] =	ssyncadd.s32 $0xFFFFE000  }
0x29: {  	_ =	swait.ge [sflag:s22], $0x2000  }
0x2a: {  	s23 =	sadd.s32 $0xFFFFFFFF, s23;
	[sflag:s22] =	ssyncset.done $0x0  }
.LBB2_1:
0x2b: {  	p0 =	sne.s32 s23, $0x1;
	s23 =	sadd.s32 $0xFFFFFFFF, s23;
	[sflag:s22] =	ssyncadd.s32 $0xFFFFE000  }
0x2c: {  	[tilespmem:s4], [sflag:$0x1] =	stream.linear.gather [hbm4b:s5+s4], $0x40, $0x38;
	[tilespmem:$0x4200] =	vst v63  }
0x2d: {  	_ = 	snop  }
0x2e: {  	[tilespmem:s7], [sflag:$0x2] =	stream.linear.gather [hbm4b:s6+s4], $0x40, $0x38;
	[tilespmem:$0x4200] =	vst v63  }
0x2f: {  	_ = 	snop  }
0x30: {  	[tilespmem:s9], [sflag:$0x3] =	stream.linear.gather [hbm4b:s8+s4], $0x40, $0x38;
	[tilespmem:$0x4200] =	vst v63  }
0x31: {  	_ = 	snop  }
0x32: {  	[tilespmem:s11], [sflag:$0x4] =	stream.linear.gather [hbm4b:s10+s4], $0x40, $0x38;
	[tilespmem:$0x4200] =	vst v63  }
0x33: {  	_ =	swait.ge [sflag:s12], $0x40  }
0x34: {  	[sflag:s12] =	ssyncset.done $0x0  }
0x35: {  	[sflag:s12] =	ssyncadd.s32 $0xFFFFFFC0  }
0x36: {  	[tilespmem:s14], [sflag:$0x5] =	stream.indirect.gather [hbm4b:s1+s13], $0x80, s9, s13, $0xb8;
	[tilespmem:$0x4200] =	vst v63  }
0x37: {  	_ =	swait.ge [sflag:s15], $0x40  }
0x38: {  	[sflag:s15] =	ssyncset.done $0x0  }
0x39: {  	[sflag:s15] =	ssyncadd.s32 $0xFFFFFFC0  }
0x3a: {  	[tilespmem:s16], [sflag:$0x6] =	stream.indirect.gather [hbm4b:s1+s13], $0x80, s11, s13, $0xb8;
	[tilespmem:$0x4200] =	vst v63  }
0x3b: {  	_ =	swait.ge [sflag:s17], $0x2000  }
0x3c: {  	[sflag:s17] =	ssyncset.done $0x0  }
0x3d: {  	[sflag:s17] =	ssyncadd.s32 $0xFFFFE000  }
0x3e: {  	_ =	swait.ge [sflag:s18], $0x40  }
0x3f: {  	[sflag:s18] =	ssyncset.done $0x0  }
0x40: {  	[sflag:s18] =	ssyncadd.s32 $0xFFFFFFC0  }
0x41: {  	[hbm4b:s3+s13] =	stream.indirect.scatter [tilespmem:s14], [sflag:$0x7], $0x80, s4, s13, $0xb8;
	[tilespmem:$0x4200] =	vst v63  }
0x42: {  	_ =	swait.ge [sflag:s19], $0x2000  }
0x43: {  	[sflag:s19] =	ssyncset.done $0x0  }
0x44: {  	[sflag:s19] =	ssyncadd.s32 $0xFFFFE000  }
0x45: {  	_ =	swait.ge [sflag:s20], $0x40  }
0x46: {  	[sflag:s20] =	ssyncset.done $0x0  }
0x47: {  	[sflag:s20] =	ssyncadd.s32 $0xFFFFFFC0  }
0x48: {  	[hbm4b:s3+s13] =	stream.indirect.scatter [tilespmem:s16], [sflag:$0x8], $0x80, s7, s13, $0xb8;
	[tilespmem:$0x4200] =	vst v63  }
.Ltmp1:
0x49: {  	_ =	swait.ge [sflag:s21], $0x2000;
	(pc) =	sbr.rel @p0 .LBB2_1-.Ltmp1, $4  }
0x4a: {  	[sflag:s21] =	ssyncset.done $0x0  }
0x4b: {  	[sflag:s21] =	ssyncadd.s32 $0xFFFFE000  }
0x4c: {  	_ =	swait.ge [sflag:s22], $0x2000  }
0x4d: {  	[sflag:s22] =	ssyncset.done $0x0  }
.LBB2_2:
0x4e: {  	[sflag:s22] =	ssyncadd.s32 $0xFFFFE000  }
0x4f: {  	_ =	sfence.sel $0x180000  }
0x50: {  	[bflag:$0x0] =	sbarrier.arrive $0xFFFF  }
0x51: {  	p0 =	sne.s32 s2, $0x0;
	_ =	strace $0x90000047  }
0x52: {  	s0 =	sadd.s32 @!p0 $0x100000, s0;
	[bflag:$0x2] =	sbarrier.arrive $0xFFFF  }
0x53: {  	[sflag:s0] =	ssyncadd.tile.s32 @!p0 $0x1;
	_ =	shalt  }
.Lfunc_end2:
_tile_overlayer_lowered:
.L_overlay_start_2:
0x54: {  	(tag) =	ssettag $0x2  }
0x55: {  	s0 =	rddreg [dreg:$0x0];
	s2 =	stileid.u32  }
0x56: {  	s1 =	rddreg [dreg:$0x1];
	p0 =	sne.s32 s2, $0x0  }
0x57: {  	s3 =	rddreg [dreg:$0x2];
	[bflag:$0x3] =	sbarrier.arrive $0xFFFF;
	s2 =	simm.s32 @!p0 $0x1C09  }
0x58: {  	[timem:s3], [sflag:s2] =	dma.local @!p0 [hbm:s0], s1  }
0x59: {  	s0 =	simm.s32 @!p0 $0x9  }
0x5a: {  	_ =	swait.ge @!p0 [sflag:s0], s1  }
0x5b: {  	s1 =	ssub.s32 @!p0 $0x0, s1;
	[sflag:s0] =	ssyncset.done @!p0 $0x0  }
0x5c: {  	[sflag:s0] =	ssyncadd.s32 @!p0 s1  }
0x5d: {  	[bflag:$0x3] =	sbarrier.arrive $0xFFFF  }
0x5e: {  	_ =	shalt  }

</sc_bundles>
